<compile_context>
chip_gen: v7x
topology: tpu7x:2x2x1
jax: 0.10.2.dev20260603
libtpu: 0.0.44.dev20260713+nightly
codegen_flags: <defaults>
</compile_context>

<pallas_src>
import functools

import jax
import jax.numpy as jnp
from jax import lax
from jax.experimental import pallas as pl
from jax.experimental.pallas import tpu as pltpu
from jax.experimental.pallas import tpu_sc as plsc

_L = 16
_Q = 3
_NCORNER = 8
_V = 32
_RES = 128
_CONV = (_RES * _RES, _RES, 1)
_NM_HALF = 0.4999999
_MAGIC = 12582912.0


@functools.partial(
    pl.kernel,
    out_type=jax.ShapeDtypeStruct((_V,), jnp.float32),
    mesh=plsc.VectorSubcoreMesh(core_axis_name="c", subcore_axis_name="s",
                                num_cores=1, num_subcores=1),
    compiler_params=pltpu.CompilerParams(use_tc_tiling_on_sc=False),
    scratch_types=[
        pltpu.VMEM((_L,), jnp.float32),
        pltpu.VMEM((_L,), jnp.int32),
        pltpu.VMEM((_NCORNER, _V), jnp.float32),
        pltpu.VMEM((_V,), jnp.float32),
        pltpu.SemaphoreType.DMA,
    ],
)
def _kb_lookup(q_hbm, table_hbm, out_hbm, q_v, idx_v, rows_v, out_v, sem):
    @pl.when((lax.axis_index("c") == 0) & (lax.axis_index("s") == 0))
    def _():
        pltpu.sync_copy(q_hbm, q_v.at[pl.ds(0, _Q)])
        q_reg = q_v[...]
        lane = lax.iota(jnp.int32, _L)

        def bcast(vec, i):
            idx = jnp.full((_L, 1), i, jnp.int32)
            return lax.gather(
                vec, idx,
                dimension_numbers=lax.GatherDimensionNumbers(
                    offset_dims=(), collapsed_slice_dims=(0,),
                    start_index_map=(0,)),
                slice_sizes=(1,),
                mode=lax.GatherScatterMode.PROMISE_IN_BOUNDS)

        w = jnp.zeros((_L,), jnp.float32)
        flat = jnp.zeros((_L,), jnp.int32)
        for d in range(_Q):
            qd = bcast(q_reg, d)
            base = qd.astype(jnp.int32).astype(jnp.float32)
            sd = (qd - base) * float(_RES)
            bit = (lane >> (_Q - 1 - d)) & 1
            nm_d = jnp.where(bit == 0, jnp.float32(_NM_HALF),
                             jnp.float32(-_NM_HALF))
            ind = ((nm_d + sd) + _MAGIC) - _MAGIC
            w = w + (1.0 - jnp.abs(ind - sd))
            flat = flat + ind.astype(jnp.int32) * _CONV[d]
        idx_v[...] = lax.rem(flat, _RES)
        pltpu.async_copy(table_hbm.at[idx_v.at[pl.ds(0, _NCORNER)]],
                         rows_v, sem).wait()
        acc0 = jnp.zeros((_L,), jnp.float32)
        acc1 = jnp.zeros((_L,), jnp.float32)
        for c in range(_NCORNER):
            wc = bcast(w, c)
            acc0 = acc0 + wc * rows_v[c, pl.ds(0, _L)]
            acc1 = acc1 + wc * rows_v[c, pl.ds(_L, _L)]
        out_v[pl.ds(0, _L)] = acc0 / float(_Q)
        out_v[pl.ds(_L, _L)] = acc1 / float(_Q)
        pltpu.sync_copy(out_v, out_hbm)


def kernel(query, storage_flat, neighbor_map, flat_converter):
    del neighbor_map, flat_converter
    table128 = lax.slice(storage_flat, (0, 0), (_RES, _V))
    return _kb_lookup(query, table128)

# --- scband reference (transcript-rebuilt; emitter-appended) ---
"""Pipeline reference for scband-knowledge-base-20134806683883 (READ-ONLY COPY).

The authoritative reference and input builder live on the scoring server;
editing this copy changes nothing except your own understanding.
"""

import jax, jax.numpy as jnp
import numpy as np

QUERY_SIZE = 3
VALUE_SIZE = 32
RESOLUTION = 128


def _build_neighbor_map(q):
    nm = [[]]
    for _ in range(q):
        nm = [[0.4999999] + a for a in nm] + [[-0.4999999] + a for a in nm]
    return jnp.asarray(np.array(nm, dtype=np.float32))


def setup_inputs(seed: int = 0) -> dict:
    key = jax.random.key(seed)
    k1, k2 = jax.random.split(key)
    query = jax.random.uniform(k1, (QUERY_SIZE,), dtype=jnp.float32)
    rows = RESOLUTION ** QUERY_SIZE
    storage_flat = jax.random.normal(k2, (rows, VALUE_SIZE), dtype=jnp.float32)
    neighbor_map = _build_neighbor_map(QUERY_SIZE)
    flat_converter = jnp.asarray(
        np.array([[RESOLUTION ** i] for i in reversed(range(QUERY_SIZE))], dtype=np.int32)
    )
    return {
        "query": query,
        "storage_flat": storage_flat,
        "neighbor_map": neighbor_map,
        "flat_converter": flat_converter,
    }


def reference(query, storage_flat, neighbor_map, flat_converter):
    # mirrors torch no_grad block (values computation)
    base = jnp.floor(query)
    scaled_and_wrapped = (query - base) * RESOLUTION  # [Q]
    # unsqueeze(.,1).expand(-1, 2^Q).T  ==  broadcast scaled to [2^Q, Q]
    replicated_query = jnp.broadcast_to(scaled_and_wrapped[None, :], neighbor_map.shape)
    indices = jnp.round(neighbor_map + replicated_query)  # [2^Q, Q]
    flat_indices = jnp.squeeze(
        jnp.matmul(indices.astype(jnp.int32), flat_converter), axis=-1
    ) % RESOLUTION  # [2^Q]
    values = jnp.take(storage_flat, flat_indices, axis=0)  # [2^Q, V]
    weights = jnp.sum(1.0 - jnp.abs(indices - scaled_and_wrapped), axis=1)  # [2^Q]
    result = jnp.squeeze(jnp.matmul(values.T, weights)) / QUERY_SIZE  # [V]
    return result

if __name__ == "__main__":
    import jax
    _d = setup_inputs()
    print(jax.jit(kernel)(*tuple(_d.values())))

</pallas_src>

<mosaic_0001>
#map = affine_map<(d0, d1) -> (0)>
#map1 = affine_map<(d0, d1) -> (0, 0)>
module attributes {stable_mosaic.version = 14 : i64} {
  func.func @_kb_lookup(%arg0: i32, %arg1: i32, %arg2: memref<3xf32, #tpu.memory_space<hbm>>, %arg3: memref<128x32xf32, #tpu.memory_space<hbm>>, %arg4: memref<32xf32, #tpu.memory_space<hbm>>, %arg5: memref<16xf32, #tpu.memory_space<vmem>>, %arg6: memref<16xi32, #tpu.memory_space<vmem>>, %arg7: memref<8x32xf32, #tpu.memory_space<vmem>>, %arg8: memref<32xf32, #tpu.memory_space<vmem>>, %arg9: memref<!tpu.dma_semaphore, #tpu.memory_space<semaphore_mem>>) attributes {dimension_semantics = [#tpu.dimension_semantics<core_parallel>, #tpu.dimension_semantics<subcore_parallel>], iteration_bounds = array<i64: 1, 1>, scalar_prefetch = 0 : i64, scratch_operands = 5 : i64, tpu.core_type = #tpu.core_type<sc_vector_subcore>, window_params = [{transform_indices = #map}, {transform_indices = #map1}, {transform_indices = #map}]} {
    %eq3A = arith.constant 0 : i32
    %eq3A_0 = arith.cmpi eq, %arg0, %eq3A : i32
    %eq3A_1 = arith.constant 0 : i32
    %eq3A_2 = arith.cmpi eq, %arg1, %eq3A_1 : i32
    %and3A = arith.andi %eq3A_0, %eq3A_2 : i1
    %convert_element_type3A = arith.extui %and3A : i1 to i32
    %cond3A = arith.constant 0 : i32
    %cond3A_3 = arith.cmpi ne, %convert_element_type3A, %cond3A : i32
    scf.if %cond3A_3 {
      "tpu.region"() ({
        %run_scoped3A = tpu.sem_alloc : memref<!tpu.dma_semaphore, #tpu.memory_space<semaphore_mem>>
        %dma_start3A_301 = arith.constant 0 : i32
        %dma_start3A_302 = tpu.memref_slice %arg5[%dma_start3A_301] : memref<16xf32, #tpu.memory_space<vmem>> -> memref<3xf32, #tpu.memory_space<vmem>>
        %dma_start3A_303 = arith.constant 0 : i32
        %dma_start3A_304 = tpu.memref_slice %arg5[%dma_start3A_303] : memref<16xf32, #tpu.memory_space<vmem>> -> memref<3xf32, #tpu.memory_space<vmem>>
        tpu.enqueue_dma source(%arg2 : memref<3xf32, #tpu.memory_space<hbm>>) target(%dma_start3A_304 : memref<3xf32, #tpu.memory_space<vmem>>) target_semaphore(%run_scoped3A : memref<!tpu.dma_semaphore, #tpu.memory_space<semaphore_mem>>)
        %dma_wait3A_305 = arith.constant 0 : i32
        %dma_wait3A_306 = tpu.memref_slice %arg5[%dma_wait3A_305] : memref<16xf32, #tpu.memory_space<vmem>> -> memref<3xf32, #tpu.memory_space<vmem>>
        %dma_wait3A_307 = arith.constant 0 : i32
        %dma_wait3A_308 = tpu.memref_slice %arg5[%dma_wait3A_307] : memref<16xf32, #tpu.memory_space<vmem>> -> memref<3xf32, #tpu.memory_space<vmem>>
        tpu.wait_dma2 semaphore(%run_scoped3A : memref<!tpu.dma_semaphore, #tpu.memory_space<semaphore_mem>>) src(%arg2 : memref<3xf32, #tpu.memory_space<hbm>>) dst(%dma_wait3A_308 : memref<3xf32, #tpu.memory_space<vmem>>)
        tpu.yield
      }) : () -> ()
      %get3A = arith.constant 0 : index
      %get3A_4 = tpu.vector_load %arg5[%get3A] {strides = array<i32>} : memref<16xf32, #tpu.memory_space<vmem>>, vector<16xf32>,
      %get3A_5 = vector.shape_cast %get3A_4 : vector<16xf32> to vector<16xf32>
      %iota3A = tpu.iota {dimensions = array<i32: 0>} : vector<16xi32>
      %broadcast_in_dim3A = arith.constant 0.000000e+00 : f32
      %broadcast_in_dim3A_6 = vector.broadcast %broadcast_in_dim3A : f32 to vector<16xf32>
      %broadcast_in_dim3A_7 = arith.constant 0 : i32
      %broadcast_in_dim3A_8 = vector.broadcast %broadcast_in_dim3A_7 : i32 to vector<16xi32>
      %broadcast_in_dim3A_9 = arith.constant 0 : i32
      %broadcast_in_dim3A_10 = vector.broadcast %broadcast_in_dim3A_9 : i32 to vector<16x1xi32>
      %gather3A = vector.shape_cast %broadcast_in_dim3A_10 : vector<16x1xi32> to vector<16xi32>
      %gather3A_11 = tpu.dynamic_gather %get3A_5[%gather3A] in [0] : vector<16xf32>, vector<16xi32> -> vector<16xf32>
      %convert_element_type3A_12 = arith.fptosi %gather3A_11 : vector<16xf32> to vector<16xi32>
      %convert_element_type3A_13 = arith.sitofp %convert_element_type3A_12 : vector<16xi32> to vector<16xf32>
      %sub3A = arith.subf %gather3A_11, %convert_element_type3A_13 : vector<16xf32>
      %mul3A = arith.constant 1.280000e+02 : f32
      %mul3A_14 = vector.broadcast %mul3A : f32 to vector<16xf32>
      %mul3A_15 = arith.mulf %sub3A, %mul3A_14 : vector<16xf32>
      %shift_right_arithmetic3A = arith.constant 2 : i32
      %shift_right_arithmetic3A_16 = vector.broadcast %shift_right_arithmetic3A : i32 to vector<16xi32>
      %shift_right_arithmetic3A_17 = arith.shrsi %iota3A, %shift_right_arithmetic3A_16 : vector<16xi32>
      %and3A_18 = arith.constant 1 : i32
      %and3A_19 = vector.broadcast %and3A_18 : i32 to vector<16xi32>
      %and3A_20 = arith.andi %shift_right_arithmetic3A_17, %and3A_19 : vector<16xi32>
      %eq3A_21 = arith.constant 0 : i32
      %eq3A_22 = vector.broadcast %eq3A_21 : i32 to vector<16xi32>
      %eq3A_23 = arith.cmpi eq, %and3A_20, %eq3A_22 : vector<16xi32>
      %jit3A = arith.constant 0.499999911 : f32
      %jit3A_24 = arith.constant -0.499999911 : f32
      %broadcast_in_dim3A_25 = vector.broadcast %jit3A : f32 to vector<16xf32>
      %broadcast_in_dim3A_26 = vector.broadcast %jit3A_24 : f32 to vector<16xf32>
      %select_n3A = arith.select %eq3A_23, %broadcast_in_dim3A_25, %broadcast_in_dim3A_26 : vector<16xi1>, vector<16xf32>
      %add3A = arith.addf %select_n3A, %mul3A_15 : vector<16xf32>
      %add3A_27 = arith.constant 0x4B400000 : f32
      %add3A_28 = vector.broadcast %add3A_27 : f32 to vector<16xf32>
      %add3A_29 = arith.addf %add3A, %add3A_28 : vector<16xf32>
      %sub3A_30 = arith.constant 0x4B400000 : f32
      %sub3A_31 = vector.broadcast %sub3A_30 : f32 to vector<16xf32>
      %sub3A_32 = arith.subf %add3A_29, %sub3A_31 : vector<16xf32>
      %sub3A_33 = arith.subf %sub3A_32, %mul3A_15 : vector<16xf32>
      %abs3A = math.absf %sub3A_33 : vector<16xf32>
      %sub3A_34 = arith.constant 1.000000e+00 : f32
      %sub3A_35 = vector.broadcast %sub3A_34 : f32 to vector<16xf32>
      %sub3A_36 = arith.subf %sub3A_35, %abs3A : vector<16xf32>
      %add3A_37 = arith.addf %broadcast_in_dim3A_6, %sub3A_36 : vector<16xf32>
      %convert_element_type3A_38 = arith.fptosi %sub3A_32 : vector<16xf32> to vector<16xi32>
      %mul3A_39 = arith.constant 16384 : i32
      %mul3A_40 = vector.broadcast %mul3A_39 : i32 to vector<16xi32>
      %mul3A_41 = arith.muli %convert_element_type3A_38, %mul3A_40 : vector<16xi32>
      %add3A_42 = arith.addi %broadcast_in_dim3A_8, %mul3A_41 : vector<16xi32>
      %broadcast_in_dim3A_43 = arith.constant 1 : i32
      %broadcast_in_dim3A_44 = vector.broadcast %broadcast_in_dim3A_43 : i32 to vector<16x1xi32>
      %gather3A_45 = vector.shape_cast %broadcast_in_dim3A_44 : vector<16x1xi32> to vector<16xi32>
      %gather3A_46 = tpu.dynamic_gather %get3A_5[%gather3A_45] in [0] : vector<16xf32>, vector<16xi32> -> vector<16xf32>
      %convert_element_type3A_47 = arith.fptosi %gather3A_46 : vector<16xf32> to vector<16xi32>
      %convert_element_type3A_48 = arith.sitofp %convert_element_type3A_47 : vector<16xi32> to vector<16xf32>
      %sub3A_49 = arith.subf %gather3A_46, %convert_element_type3A_48 : vector<16xf32>
      %mul3A_50 = arith.constant 1.280000e+02 : f32
      %mul3A_51 = vector.broadcast %mul3A_50 : f32 to vector<16xf32>
      %mul3A_52 = arith.mulf %sub3A_49, %mul3A_51 : vector<16xf32>
      %shift_right_arithmetic3A_53 = arith.constant 1 : i32
      %shift_right_arithmetic3A_54 = vector.broadcast %shift_right_arithmetic3A_53 : i32 to vector<16xi32>
      %shift_right_arithmetic3A_55 = arith.shrsi %iota3A, %shift_right_arithmetic3A_54 : vector<16xi32>
      %and3A_56 = arith.constant 1 : i32
      %and3A_57 = vector.broadcast %and3A_56 : i32 to vector<16xi32>
      %and3A_58 = arith.andi %shift_right_arithmetic3A_55, %and3A_57 : vector<16xi32>
      %eq3A_59 = arith.constant 0 : i32
      %eq3A_60 = vector.broadcast %eq3A_59 : i32 to vector<16xi32>
      %eq3A_61 = arith.cmpi eq, %and3A_58, %eq3A_60 : vector<16xi32>
      %jit3A_62 = arith.constant 0.499999911 : f32
      %jit3A_63 = arith.constant -0.499999911 : f32
      %broadcast_in_dim3A_64 = vector.broadcast %jit3A_62 : f32 to vector<16xf32>
      %broadcast_in_dim3A_65 = vector.broadcast %jit3A_63 : f32 to vector<16xf32>
      %select_n3A_66 = arith.select %eq3A_61, %broadcast_in_dim3A_64, %broadcast_in_dim3A_65 : vector<16xi1>, vector<16xf32>
      %add3A_67 = arith.addf %select_n3A_66, %mul3A_52 : vector<16xf32>
      %add3A_68 = arith.constant 0x4B400000 : f32
      %add3A_69 = vector.broadcast %add3A_68 : f32 to vector<16xf32>
      %add3A_70 = arith.addf %add3A_67, %add3A_69 : vector<16xf32>
      %sub3A_71 = arith.constant 0x4B400000 : f32
      %sub3A_72 = vector.broadcast %sub3A_71 : f32 to vector<16xf32>
      %sub3A_73 = arith.subf %add3A_70, %sub3A_72 : vector<16xf32>
      %sub3A_74 = arith.subf %sub3A_73, %mul3A_52 : vector<16xf32>
      %abs3A_75 = math.absf %sub3A_74 : vector<16xf32>
      %sub3A_76 = arith.constant 1.000000e+00 : f32
      %sub3A_77 = vector.broadcast %sub3A_76 : f32 to vector<16xf32>
      %sub3A_78 = arith.subf %sub3A_77, %abs3A_75 : vector<16xf32>
      %add3A_79 = arith.addf %add3A_37, %sub3A_78 : vector<16xf32>
      %convert_element_type3A_80 = arith.fptosi %sub3A_73 : vector<16xf32> to vector<16xi32>
      %mul3A_81 = arith.constant 128 : i32
      %mul3A_82 = vector.broadcast %mul3A_81 : i32 to vector<16xi32>
      %mul3A_83 = arith.muli %convert_element_type3A_80, %mul3A_82 : vector<16xi32>
      %add3A_84 = arith.addi %add3A_42, %mul3A_83 : vector<16xi32>
      %broadcast_in_dim3A_85 = arith.constant 2 : i32
      %broadcast_in_dim3A_86 = vector.broadcast %broadcast_in_dim3A_85 : i32 to vector<16x1xi32>
      %gather3A_87 = vector.shape_cast %broadcast_in_dim3A_86 : vector<16x1xi32> to vector<16xi32>
      %gather3A_88 = tpu.dynamic_gather %get3A_5[%gather3A_87] in [0] : vector<16xf32>, vector<16xi32> -> vector<16xf32>
      %convert_element_type3A_89 = arith.fptosi %gather3A_88 : vector<16xf32> to vector<16xi32>
      %convert_element_type3A_90 = arith.sitofp %convert_element_type3A_89 : vector<16xi32> to vector<16xf32>
      %sub3A_91 = arith.subf %gather3A_88, %convert_element_type3A_90 : vector<16xf32>
      %mul3A_92 = arith.constant 1.280000e+02 : f32
      %mul3A_93 = vector.broadcast %mul3A_92 : f32 to vector<16xf32>
      %mul3A_94 = arith.mulf %sub3A_91, %mul3A_93 : vector<16xf32>
      %shift_right_arithmetic3A_95 = arith.constant 0 : i32
      %shift_right_arithmetic3A_96 = vector.broadcast %shift_right_arithmetic3A_95 : i32 to vector<16xi32>
      %shift_right_arithmetic3A_97 = arith.shrsi %iota3A, %shift_right_arithmetic3A_96 : vector<16xi32>
      %and3A_98 = arith.constant 1 : i32
      %and3A_99 = vector.broadcast %and3A_98 : i32 to vector<16xi32>
      %and3A_100 = arith.andi %shift_right_arithmetic3A_97, %and3A_99 : vector<16xi32>
      %eq3A_101 = arith.constant 0 : i32
      %eq3A_102 = vector.broadcast %eq3A_101 : i32 to vector<16xi32>
      %eq3A_103 = arith.cmpi eq, %and3A_100, %eq3A_102 : vector<16xi32>
      %jit3A_104 = arith.constant 0.499999911 : f32
      %jit3A_105 = arith.constant -0.499999911 : f32
      %broadcast_in_dim3A_106 = vector.broadcast %jit3A_104 : f32 to vector<16xf32>
      %broadcast_in_dim3A_107 = vector.broadcast %jit3A_105 : f32 to vector<16xf32>
      %select_n3A_108 = arith.select %eq3A_103, %broadcast_in_dim3A_106, %broadcast_in_dim3A_107 : vector<16xi1>, vector<16xf32>
      %add3A_109 = arith.addf %select_n3A_108, %mul3A_94 : vector<16xf32>
      %add3A_110 = arith.constant 0x4B400000 : f32
      %add3A_111 = vector.broadcast %add3A_110 : f32 to vector<16xf32>
      %add3A_112 = arith.addf %add3A_109, %add3A_111 : vector<16xf32>
      %sub3A_113 = arith.constant 0x4B400000 : f32
      %sub3A_114 = vector.broadcast %sub3A_113 : f32 to vector<16xf32>
      %sub3A_115 = arith.subf %add3A_112, %sub3A_114 : vector<16xf32>
      %sub3A_116 = arith.subf %sub3A_115, %mul3A_94 : vector<16xf32>
      %abs3A_117 = math.absf %sub3A_116 : vector<16xf32>
      %sub3A_118 = arith.constant 1.000000e+00 : f32
      %sub3A_119 = vector.broadcast %sub3A_118 : f32 to vector<16xf32>
      %sub3A_120 = arith.subf %sub3A_119, %abs3A_117 : vector<16xf32>
      %add3A_121 = arith.addf %add3A_79, %sub3A_120 : vector<16xf32>
      %convert_element_type3A_122 = arith.fptosi %sub3A_115 : vector<16xf32> to vector<16xi32>
      %mul3A_123 = arith.constant 1 : i32
      %mul3A_124 = vector.broadcast %mul3A_123 : i32 to vector<16xi32>
      %mul3A_125 = arith.muli %convert_element_type3A_122, %mul3A_124 : vector<16xi32>
      %add3A_126 = arith.addi %add3A_84, %mul3A_125 : vector<16xi32>
      %rem3A = arith.constant 128 : i32
      %rem3A_127 = vector.broadcast %rem3A : i32 to vector<16xi32>
      %rem3A_128 = arith.remsi %add3A_126, %rem3A_127 : vector<16xi32>
      %swap3A = arith.constant 0 : index
      %swap3A_129 = tpu.vector_load %arg6[%swap3A] {strides = array<i32>} : memref<16xi32, #tpu.memory_space<vmem>>, vector<16xi32>,
      %swap3A_130 = vector.shape_cast %swap3A_129 : vector<16xi32> to vector<16xi32>
      %swap3A_131 = vector.shape_cast %rem3A_128 : vector<16xi32> to vector<16xi32>
      tpu.vector_store %arg6[%swap3A], %swap3A_131 {strides = array<i32>} : memref<16xi32, #tpu.memory_space<vmem>>, vector<16xi32>,
      %dma_start3A = arith.constant 0 : i32
      %dma_start3A_132 = tpu.memref_slice %arg6[%dma_start3A] : memref<16xi32, #tpu.memory_space<vmem>> -> memref<8xi32, #tpu.memory_space<vmem>>
      %dma_start3A_133 = arith.constant 0 : i32
      %dma_start3A_134 = arith.constant 0 : i32
      %dma_start3A_135 = tpu.memref_slice %arg3[%dma_start3A_133, %dma_start3A_134] : memref<128x32xf32, #tpu.memory_space<hbm>> -> memref<128x32xf32, #tpu.memory_space<hbm>>
      tpu.enqueue_indirect_dma source(%dma_start3A_135 : memref<128x32xf32, #tpu.memory_space<hbm>>) target(%arg7 : memref<8x32xf32, #tpu.memory_space<vmem>>) offsets(%dma_start3A_132 : memref<8xi32, #tpu.memory_space<vmem>>) semaphore(%arg9 : memref<!tpu.dma_semaphore, #tpu.memory_space<semaphore_mem>>)
      %dma_wait3A = arith.constant 0 : i32
      %dma_wait3A_136 = tpu.memref_slice %arg6[%dma_wait3A] : memref<16xi32, #tpu.memory_space<vmem>> -> memref<8xi32, #tpu.memory_space<vmem>>
      %dma_wait3A_137 = arith.constant 0 : i32
      %dma_wait3A_138 = arith.constant 0 : i32
      %dma_wait3A_139 = tpu.memref_slice %arg3[%dma_wait3A_137, %dma_wait3A_138] : memref<128x32xf32, #tpu.memory_space<hbm>> -> memref<128x32xf32, #tpu.memory_space<hbm>>
      tpu.wait_indirect_dma semaphore(%arg9 : memref<!tpu.dma_semaphore, #tpu.memory_space<semaphore_mem>>) src(%dma_wait3A_139 : memref<128x32xf32, #tpu.memory_space<hbm>>) dst(%arg7 : memref<8x32xf32, #tpu.memory_space<vmem>>)
      %broadcast_in_dim3A_140 = arith.constant 0.000000e+00 : f32
      %broadcast_in_dim3A_141 = vector.broadcast %broadcast_in_dim3A_140 : f32 to vector<16xf32>
      %broadcast_in_dim3A_142 = arith.constant 0.000000e+00 : f32
      %broadcast_in_dim3A_143 = vector.broadcast %broadcast_in_dim3A_142 : f32 to vector<16xf32>
      %broadcast_in_dim3A_144 = arith.constant 0 : i32
      %broadcast_in_dim3A_145 = vector.broadcast %broadcast_in_dim3A_144 : i32 to vector<16x1xi32>
      %gather3A_146 = vector.shape_cast %broadcast_in_dim3A_145 : vector<16x1xi32> to vector<16xi32>
      %gather3A_147 = tpu.dynamic_gather %add3A_121[%gather3A_146] in [0] : vector<16xf32>, vector<16xi32> -> vector<16xf32>
      %get3A_148 = arith.constant 0 : i32
      %get3A_149 = arith.index_cast %get3A_148 : i32 to index
      %get3A_150 = arith.constant 0 : index
      %get3A_151 = tpu.vector_load %arg7[%get3A_149, %get3A_150] {strides = array<i32>} : memref<8x32xf32, #tpu.memory_space<vmem>>, vector<1x16xf32>,
      %get3A_152 = vector.shape_cast %get3A_151 : vector<1x16xf32> to vector<16xf32>
      %mul3A_153 = arith.mulf %gather3A_147, %get3A_152 : vector<16xf32>
      %add3A_154 = arith.addf %broadcast_in_dim3A_141, %mul3A_153 : vector<16xf32>
      %get3A_155 = arith.constant 0 : i32
      %get3A_156 = arith.index_cast %get3A_155 : i32 to index
      %get3A_157 = arith.constant 16 : index
      %get3A_158 = tpu.vector_load %arg7[%get3A_156, %get3A_157] {strides = array<i32>} : memref<8x32xf32, #tpu.memory_space<vmem>>, vector<1x16xf32>,
      %get3A_159 = vector.shape_cast %get3A_158 : vector<1x16xf32> to vector<16xf32>
      %mul3A_160 = arith.mulf %gather3A_147, %get3A_159 : vector<16xf32>
      %add3A_161 = arith.addf %broadcast_in_dim3A_143, %mul3A_160 : vector<16xf32>
      %broadcast_in_dim3A_162 = arith.constant 1 : i32
      %broadcast_in_dim3A_163 = vector.broadcast %broadcast_in_dim3A_162 : i32 to vector<16x1xi32>
      %gather3A_164 = vector.shape_cast %broadcast_in_dim3A_163 : vector<16x1xi32> to vector<16xi32>
      %gather3A_165 = tpu.dynamic_gather %add3A_121[%gather3A_164] in [0] : vector<16xf32>, vector<16xi32> -> vector<16xf32>
      %get3A_166 = arith.constant 1 : i32
      %get3A_167 = arith.index_cast %get3A_166 : i32 to index
      %get3A_168 = arith.constant 0 : index
      %get3A_169 = tpu.vector_load %arg7[%get3A_167, %get3A_168] {strides = array<i32>} : memref<8x32xf32, #tpu.memory_space<vmem>>, vector<1x16xf32>,
      %get3A_170 = vector.shape_cast %get3A_169 : vector<1x16xf32> to vector<16xf32>
      %mul3A_171 = arith.mulf %gather3A_165, %get3A_170 : vector<16xf32>
      %add3A_172 = arith.addf %add3A_154, %mul3A_171 : vector<16xf32>
      %get3A_173 = arith.constant 1 : i32
      %get3A_174 = arith.index_cast %get3A_173 : i32 to index
      %get3A_175 = arith.constant 16 : index
      %get3A_176 = tpu.vector_load %arg7[%get3A_174, %get3A_175] {strides = array<i32>} : memref<8x32xf32, #tpu.memory_space<vmem>>, vector<1x16xf32>,
      %get3A_177 = vector.shape_cast %get3A_176 : vector<1x16xf32> to vector<16xf32>
      %mul3A_178 = arith.mulf %gather3A_165, %get3A_177 : vector<16xf32>
      %add3A_179 = arith.addf %add3A_161, %mul3A_178 : vector<16xf32>
      %broadcast_in_dim3A_180 = arith.constant 2 : i32
      %broadcast_in_dim3A_181 = vector.broadcast %broadcast_in_dim3A_180 : i32 to vector<16x1xi32>
      %gather3A_182 = vector.shape_cast %broadcast_in_dim3A_181 : vector<16x1xi32> to vector<16xi32>
      %gather3A_183 = tpu.dynamic_gather %add3A_121[%gather3A_182] in [0] : vector<16xf32>, vector<16xi32> -> vector<16xf32>
      %get3A_184 = arith.constant 2 : i32
      %get3A_185 = arith.index_cast %get3A_184 : i32 to index
      %get3A_186 = arith.constant 0 : index
      %get3A_187 = tpu.vector_load %arg7[%get3A_185, %get3A_186] {strides = array<i32>} : memref<8x32xf32, #tpu.memory_space<vmem>>, vector<1x16xf32>,
      %get3A_188 = vector.shape_cast %get3A_187 : vector<1x16xf32> to vector<16xf32>
      %mul3A_189 = arith.mulf %gather3A_183, %get3A_188 : vector<16xf32>
      %add3A_190 = arith.addf %add3A_172, %mul3A_189 : vector<16xf32>
      %get3A_191 = arith.constant 2 : i32
      %get3A_192 = arith.index_cast %get3A_191 : i32 to index
      %get3A_193 = arith.constant 16 : index
      %get3A_194 = tpu.vector_load %arg7[%get3A_192, %get3A_193] {strides = array<i32>} : memref<8x32xf32, #tpu.memory_space<vmem>>, vector<1x16xf32>,
      %get3A_195 = vector.shape_cast %get3A_194 : vector<1x16xf32> to vector<16xf32>
      %mul3A_196 = arith.mulf %gather3A_183, %get3A_195 : vector<16xf32>
      %add3A_197 = arith.addf %add3A_179, %mul3A_196 : vector<16xf32>
      %broadcast_in_dim3A_198 = arith.constant 3 : i32
      %broadcast_in_dim3A_199 = vector.broadcast %broadcast_in_dim3A_198 : i32 to vector<16x1xi32>
      %gather3A_200 = vector.shape_cast %broadcast_in_dim3A_199 : vector<16x1xi32> to vector<16xi32>
      %gather3A_201 = tpu.dynamic_gather %add3A_121[%gather3A_200] in [0] : vector<16xf32>, vector<16xi32> -> vector<16xf32>
      %get3A_202 = arith.constant 3 : i32
      %get3A_203 = arith.index_cast %get3A_202 : i32 to index
      %get3A_204 = arith.constant 0 : index
      %get3A_205 = tpu.vector_load %arg7[%get3A_203, %get3A_204] {strides = array<i32>} : memref<8x32xf32, #tpu.memory_space<vmem>>, vector<1x16xf32>,
      %get3A_206 = vector.shape_cast %get3A_205 : vector<1x16xf32> to vector<16xf32>
      %mul3A_207 = arith.mulf %gather3A_201, %get3A_206 : vector<16xf32>
      %add3A_208 = arith.addf %add3A_190, %mul3A_207 : vector<16xf32>
      %get3A_209 = arith.constant 3 : i32
      %get3A_210 = arith.index_cast %get3A_209 : i32 to index
      %get3A_211 = arith.constant 16 : index
      %get3A_212 = tpu.vector_load %arg7[%get3A_210, %get3A_211] {strides = array<i32>} : memref<8x32xf32, #tpu.memory_space<vmem>>, vector<1x16xf32>,
      %get3A_213 = vector.shape_cast %get3A_212 : vector<1x16xf32> to vector<16xf32>
      %mul3A_214 = arith.mulf %gather3A_201, %get3A_213 : vector<16xf32>
      %add3A_215 = arith.addf %add3A_197, %mul3A_214 : vector<16xf32>
      %broadcast_in_dim3A_216 = arith.constant 4 : i32
      %broadcast_in_dim3A_217 = vector.broadcast %broadcast_in_dim3A_216 : i32 to vector<16x1xi32>
      %gather3A_218 = vector.shape_cast %broadcast_in_dim3A_217 : vector<16x1xi32> to vector<16xi32>
      %gather3A_219 = tpu.dynamic_gather %add3A_121[%gather3A_218] in [0] : vector<16xf32>, vector<16xi32> -> vector<16xf32>
      %get3A_220 = arith.constant 4 : i32
      %get3A_221 = arith.index_cast %get3A_220 : i32 to index
      %get3A_222 = arith.constant 0 : index
      %get3A_223 = tpu.vector_load %arg7[%get3A_221, %get3A_222] {strides = array<i32>} : memref<8x32xf32, #tpu.memory_space<vmem>>, vector<1x16xf32>,
      %get3A_224 = vector.shape_cast %get3A_223 : vector<1x16xf32> to vector<16xf32>
      %mul3A_225 = arith.mulf %gather3A_219, %get3A_224 : vector<16xf32>
      %add3A_226 = arith.addf %add3A_208, %mul3A_225 : vector<16xf32>
      %get3A_227 = arith.constant 4 : i32
      %get3A_228 = arith.index_cast %get3A_227 : i32 to index
      %get3A_229 = arith.constant 16 : index
      %get3A_230 = tpu.vector_load %arg7[%get3A_228, %get3A_229] {strides = array<i32>} : memref<8x32xf32, #tpu.memory_space<vmem>>, vector<1x16xf32>,
      %get3A_231 = vector.shape_cast %get3A_230 : vector<1x16xf32> to vector<16xf32>
      %mul3A_232 = arith.mulf %gather3A_219, %get3A_231 : vector<16xf32>
      %add3A_233 = arith.addf %add3A_215, %mul3A_232 : vector<16xf32>
      %broadcast_in_dim3A_234 = arith.constant 5 : i32
      %broadcast_in_dim3A_235 = vector.broadcast %broadcast_in_dim3A_234 : i32 to vector<16x1xi32>
      %gather3A_236 = vector.shape_cast %broadcast_in_dim3A_235 : vector<16x1xi32> to vector<16xi32>
      %gather3A_237 = tpu.dynamic_gather %add3A_121[%gather3A_236] in [0] : vector<16xf32>, vector<16xi32> -> vector<16xf32>
      %get3A_238 = arith.constant 5 : i32
      %get3A_239 = arith.index_cast %get3A_238 : i32 to index
      %get3A_240 = arith.constant 0 : index
      %get3A_241 = tpu.vector_load %arg7[%get3A_239, %get3A_240] {strides = array<i32>} : memref<8x32xf32, #tpu.memory_space<vmem>>, vector<1x16xf32>,
      %get3A_242 = vector.shape_cast %get3A_241 : vector<1x16xf32> to vector<16xf32>
      %mul3A_243 = arith.mulf %gather3A_237, %get3A_242 : vector<16xf32>
      %add3A_244 = arith.addf %add3A_226, %mul3A_243 : vector<16xf32>
      %get3A_245 = arith.constant 5 : i32
      %get3A_246 = arith.index_cast %get3A_245 : i32 to index
      %get3A_247 = arith.constant 16 : index
      %get3A_248 = tpu.vector_load %arg7[%get3A_246, %get3A_247] {strides = array<i32>} : memref<8x32xf32, #tpu.memory_space<vmem>>, vector<1x16xf32>,
      %get3A_249 = vector.shape_cast %get3A_248 : vector<1x16xf32> to vector<16xf32>
      %mul3A_250 = arith.mulf %gather3A_237, %get3A_249 : vector<16xf32>
      %add3A_251 = arith.addf %add3A_233, %mul3A_250 : vector<16xf32>
      %broadcast_in_dim3A_252 = arith.constant 6 : i32
      %broadcast_in_dim3A_253 = vector.broadcast %broadcast_in_dim3A_252 : i32 to vector<16x1xi32>
      %gather3A_254 = vector.shape_cast %broadcast_in_dim3A_253 : vector<16x1xi32> to vector<16xi32>
      %gather3A_255 = tpu.dynamic_gather %add3A_121[%gather3A_254] in [0] : vector<16xf32>, vector<16xi32> -> vector<16xf32>
      %get3A_256 = arith.constant 6 : i32
      %get3A_257 = arith.index_cast %get3A_256 : i32 to index
      %get3A_258 = arith.constant 0 : index
      %get3A_259 = tpu.vector_load %arg7[%get3A_257, %get3A_258] {strides = array<i32>} : memref<8x32xf32, #tpu.memory_space<vmem>>, vector<1x16xf32>,
      %get3A_260 = vector.shape_cast %get3A_259 : vector<1x16xf32> to vector<16xf32>
      %mul3A_261 = arith.mulf %gather3A_255, %get3A_260 : vector<16xf32>
      %add3A_262 = arith.addf %add3A_244, %mul3A_261 : vector<16xf32>
      %get3A_263 = arith.constant 6 : i32
      %get3A_264 = arith.index_cast %get3A_263 : i32 to index
      %get3A_265 = arith.constant 16 : index
      %get3A_266 = tpu.vector_load %arg7[%get3A_264, %get3A_265] {strides = array<i32>} : memref<8x32xf32, #tpu.memory_space<vmem>>, vector<1x16xf32>,
      %get3A_267 = vector.shape_cast %get3A_266 : vector<1x16xf32> to vector<16xf32>
      %mul3A_268 = arith.mulf %gather3A_255, %get3A_267 : vector<16xf32>
      %add3A_269 = arith.addf %add3A_251, %mul3A_268 : vector<16xf32>
      %broadcast_in_dim3A_270 = arith.constant 7 : i32
      %broadcast_in_dim3A_271 = vector.broadcast %broadcast_in_dim3A_270 : i32 to vector<16x1xi32>
      %gather3A_272 = vector.shape_cast %broadcast_in_dim3A_271 : vector<16x1xi32> to vector<16xi32>
      %gather3A_273 = tpu.dynamic_gather %add3A_121[%gather3A_272] in [0] : vector<16xf32>, vector<16xi32> -> vector<16xf32>
      %get3A_274 = arith.constant 7 : i32
      %get3A_275 = arith.index_cast %get3A_274 : i32 to index
      %get3A_276 = arith.constant 0 : index
      %get3A_277 = tpu.vector_load %arg7[%get3A_275, %get3A_276] {strides = array<i32>} : memref<8x32xf32, #tpu.memory_space<vmem>>, vector<1x16xf32>,
      %get3A_278 = vector.shape_cast %get3A_277 : vector<1x16xf32> to vector<16xf32>
      %mul3A_279 = arith.mulf %gather3A_273, %get3A_278 : vector<16xf32>
      %add3A_280 = arith.addf %add3A_262, %mul3A_279 : vector<16xf32>
      %get3A_281 = arith.constant 7 : i32
      %get3A_282 = arith.index_cast %get3A_281 : i32 to index
      %get3A_283 = arith.constant 16 : index
      %get3A_284 = tpu.vector_load %arg7[%get3A_282, %get3A_283] {strides = array<i32>} : memref<8x32xf32, #tpu.memory_space<vmem>>, vector<1x16xf32>,
      %get3A_285 = vector.shape_cast %get3A_284 : vector<1x16xf32> to vector<16xf32>
      %mul3A_286 = arith.mulf %gather3A_273, %get3A_285 : vector<16xf32>
      %add3A_287 = arith.addf %add3A_269, %mul3A_286 : vector<16xf32>
      %div3A = arith.constant 3.000000e+00 : f32
      %div3A_288 = vector.broadcast %div3A : f32 to vector<16xf32>
      %div3A_289 = arith.divf %add3A_280, %div3A_288 : vector<16xf32>
      %swap3A_290 = arith.constant 0 : index
      %swap3A_291 = tpu.vector_load %arg8[%swap3A_290] {strides = array<i32>} : memref<32xf32, #tpu.memory_space<vmem>>, vector<16xf32>,
      %swap3A_292 = vector.shape_cast %swap3A_291 : vector<16xf32> to vector<16xf32>
      %swap3A_293 = vector.shape_cast %div3A_289 : vector<16xf32> to vector<16xf32>
      tpu.vector_store %arg8[%swap3A_290], %swap3A_293 {strides = array<i32>} : memref<32xf32, #tpu.memory_space<vmem>>, vector<16xf32>,
      %div3A_294 = arith.constant 3.000000e+00 : f32
      %div3A_295 = vector.broadcast %div3A_294 : f32 to vector<16xf32>
      %div3A_296 = arith.divf %add3A_287, %div3A_295 : vector<16xf32>
      %swap3A_297 = arith.constant 16 : index
      %swap3A_298 = tpu.vector_load %arg8[%swap3A_297] {strides = array<i32>} : memref<32xf32, #tpu.memory_space<vmem>>, vector<16xf32>,
      %swap3A_299 = vector.shape_cast %swap3A_298 : vector<16xf32> to vector<16xf32>
      %swap3A_300 = vector.shape_cast %div3A_296 : vector<16xf32> to vector<16xf32>
      tpu.vector_store %arg8[%swap3A_297], %swap3A_300 {strides = array<i32>} : memref<32xf32, #tpu.memory_space<vmem>>, vector<16xf32>,
      "tpu.region"() ({
        %run_scoped3A = tpu.sem_alloc : memref<!tpu.dma_semaphore, #tpu.memory_space<semaphore_mem>>
        tpu.enqueue_dma source(%arg8 : memref<32xf32, #tpu.memory_space<vmem>>) target(%arg4 : memref<32xf32, #tpu.memory_space<hbm>>) target_semaphore(%run_scoped3A : memref<!tpu.dma_semaphore, #tpu.memory_space<semaphore_mem>>)
        tpu.wait_dma2 semaphore(%run_scoped3A : memref<!tpu.dma_semaphore, #tpu.memory_space<semaphore_mem>>) src(%arg8 : memref<32xf32, #tpu.memory_space<vmem>>) dst(%arg4 : memref<32xf32, #tpu.memory_space<hbm>>)
        tpu.yield
      }) : () -> ()
    } else {
    }
    return
  }
}

</mosaic_0001>

<sc_bundles>
// kernel: kernel.3.cloned.1.call-start
scs
__scs_entry_jumppad:
0x0: {  	(pc) =	sbr.rel $0x88, $3  }
0x1: {  	(tag) =	ssettag $0x0;
	lr =	simm.s32 $0x1  }
0x2: {  	[smem:$0x3F9F] =	sst lr;
	_ =	strace $0xD0000000  }
0x3: {  	_ = 	snop  }
0x4: {  	_ = 	snop  }
0x5: {  	_ = 	snop  }
0x6: {  	_ = 	snop  }
0x7: {  	_ = 	snop  }
__scs_overlays_trampoline_lowered:
0x8: {  	[smem:$0x3FAE] =	sst s0  }
0x9: {  	[smem:$0x3FAF] =	sst s1  }
0xa: {  	[smem:$0x3FB0] =	sst s2  }
0xb: {  	[smem:$0x3FB1] =	sst s3  }
0xc: {  	[smem:$0x3FB2] =	sst s4  }
0xd: {  	[smem:$0x3FB3] =	sst s5  }
0xe: {  	[smem:$0x3FB4] =	sst s6  }
0xf: {  	[smem:$0x3FB5] =	sst s7  }
0x10: {  	[smem:$0x3FB6] =	sst s8  }
0x11: {  	[smem:$0x3FB7] =	sst s9;
	s0 =	simm.s32 @!p0 $0x0  }
0x12: {  	s1 =	sld [smem:$0x3F9D];
	s0 =	simm.s32 @p0 $0x1  }
0x13: {  	[smem:$0x3FB8] =	sst s0;
	s0 =	simm.s32 @!p1 $0x0  }
0x14: {  	s2 =	sld [smem:$0x3F9C];
	s0 =	simm.s32 @p1 $0x1  }
0x15: {  	[smem:$0x3FB9] =	sst s0;
	s0 =	simm.s32 @!p2 $0x0  }
0x16: {  	s3 =	sld [smem:$0x3FDB];
	s0 =	simm.s32 @p2 $0x1  }
0x17: {  	s4 =	simm.s32 $0x1BF5;
	[smem:$0x3FBB] =	sst s0  }
0x18: {  	s0 =	sld [smem:$0x3F9E];
	_ =	swait.ge [sflag:s4], $0x0  }
0x19: {  	s7 =	sld [smem:$0x3F9F]  }
0x1a: {  	s8 =	sadd.s32 $0xFFFFE003, lr  }
0x1b: {  	s9 =	sadd.s32 $0xFFFFFEF7, lr;
	s5 =	simm.s32 $0xFFFFFFFF;
	p2 =	slt.u32 s8, $0xFFFFF086  }
0x1c: {  	p1 =	slt.u32 s9, $0xF7A;
	s5 =	simm.s32 @!p2 $0x0  }
0x1d: {  	s5 =	simm.s32 @p1 $0x1;
	p0 =	seq.s32 s7, s2  }
0x1e: {  	s7 =	smul.u32 @!p0 $0xF7A, s2;
	p2 =	seq.s32 @!p0 s5, $0x0  }
0x1f: {  	s9 =	smul.u32 $0xF7A, s1;
	s8 =	simm.s32 @!p0 $0x1BF5;
	p2 =	por !p2, p0  }
0x20: {  	[sflag:s8] =	ssyncset.s32 @!p0 $0xFFFFF086;
	s6 =	sadd.s32 @!p0 s3, s7;
	s7 =	simm.s32 @!p0 $0x108  }
0x21: {  	s3 =	sadd.s32 s3, s9;
	s6 =	sadd.s32 @!p0 $0x88, s6;
	s7 =	simm.s32 @p2 $0x1082  }
0x22: {  	[simem:s7], [sflag:s8] =	dma.local @!p0 [hbm:s6], $0xF7A  }
0x23: {  	s9 =	sor.u32 $0xD0000000, s2;
	s6 =	simm.s32 $0x108;
	_ =	swait.ge @!p0 [sflag:s8], $0x0  }
0x24: {  	s3 =	sadd.s32 $0x88, s3;
	s6 =	simm.s32 @!p1 $0x1082;
	[sflag:s4] =	ssyncset.s32 $0xFFFFF086  }
0x25: {  	[simem:s6], [sflag:s4] =	dma.local [hbm:s3], $0xF7A  }
0x26: {  	[smem:$0x3F9F] =	sst s1;
	(tag) =	ssettag s2;
	_ =	strace s9  }
0x27: {  	s1 =	sld [smem:$0x3FAF]  }
0x28: {  	s2 =	sld [smem:$0x3FB0]  }
0x29: {  	s4 =	sld [smem:$0x3FB2]  }
0x2a: {  	p0 =	seq.s32 s5, $0x0;
	s5 =	sld [smem:$0x3FB3]  }
0x2b: {  	s6 =	sld [smem:$0x3FB4]  }
0x2c: {  	s7 =	sld [smem:$0x3FB5]  }
0x2d: {  	s3 =	simm.s32 $0x108;
	s8 =	sld [smem:$0x3FB6]  }
0x2e: {  	s3 =	simm.s32 @!p0 $0x1082;
	s9 =	sld [smem:$0x3FB7]  }
0x2f: {  	lr =	sadd.s32 s0, s3;
	s0 =	sld [smem:$0x3FAE]  }
0x30: {  	s3 =	sld [smem:$0x3FB1]  }
0x31: {  	[smem:$0x3FBA] =	sst s10  }
0x32: {  	s10 =	sld [smem:$0x3FB8];
	_ =	sdelay $0x3  }
0x33: {  	p0 =	seq.s32 s10, $0x1;
	s10 =	sld [smem:$0x3FBA];
	_ =	sdelay $0x3  }
0x34: {  	[smem:$0x3FBA] =	sst s10  }
0x35: {  	s10 =	sld [smem:$0x3FB9];
	_ =	sdelay $0x3  }
0x36: {  	p1 =	seq.s32 s10, $0x1;
	s10 =	sld [smem:$0x3FBA];
	_ =	sdelay $0x3  }
0x37: {  	[smem:$0x3FBA] =	sst s10  }
0x38: {  	s10 =	sld [smem:$0x3FBB]  }
0x39: {  	_ = 	snop;
	(pc) =	sbr.ind lr, $3  }
0x3a: {  	_ = 	snop  }
0x3b: {  	_ = 	snop  }
0x3c: {  	p2 =	seq.s32 s10, $0x1;
	s10 =	sld [smem:$0x3FBA]  }
0x3d: {  	_ =	shalt  }
0x3e: {  	_ =	shalt  }
0x3f: {  	_ =	shalt  }
0x40: {  	_ =	shalt  }
0x41: {  	_ =	shalt  }
0x42: {  	_ =	shalt  }
0x43: {  	_ =	shalt  }
0x44: {  	_ =	shalt  }
0x45: {  	_ =	shalt  }
0x46: {  	_ =	shalt  }
0x47: {  	_ =	shalt  }
0x48: {  	_ =	shalt  }
0x49: {  	_ =	shalt  }
0x4a: {  	_ =	shalt  }
0x4b: {  	_ =	shalt  }
0x4c: {  	_ =	shalt  }
0x4d: {  	_ =	shalt  }
0x4e: {  	_ =	shalt  }
0x4f: {  	_ =	shalt  }
0x50: {  	_ =	shalt  }
0x51: {  	_ =	shalt  }
0x52: {  	_ =	shalt  }
0x53: {  	_ =	shalt  }
0x54: {  	_ =	shalt  }
0x55: {  	_ =	shalt  }
0x56: {  	_ =	shalt  }
0x57: {  	_ =	shalt  }
0x58: {  	_ =	shalt  }
0x59: {  	_ =	shalt  }
0x5a: {  	_ =	shalt  }
0x5b: {  	_ =	shalt  }
0x5c: {  	_ =	shalt  }
0x5d: {  	_ =	shalt  }
0x5e: {  	_ =	shalt  }
0x5f: {  	_ =	shalt  }
0x60: {  	_ =	shalt  }
0x61: {  	_ =	shalt  }
0x62: {  	_ =	shalt  }
0x63: {  	_ =	shalt  }
0x64: {  	_ =	shalt  }
0x65: {  	_ =	shalt  }
0x66: {  	_ =	shalt  }
0x67: {  	_ =	shalt  }
0x68: {  	_ =	shalt  }
0x69: {  	_ =	shalt  }
0x6a: {  	_ =	shalt  }
0x6b: {  	_ =	shalt  }
0x6c: {  	_ =	shalt  }
0x6d: {  	_ =	shalt  }
0x6e: {  	_ =	shalt  }
0x6f: {  	_ =	shalt  }
0x70: {  	_ =	shalt  }
0x71: {  	_ =	shalt  }
0x72: {  	_ =	shalt  }
0x73: {  	_ =	shalt  }
0x74: {  	_ =	shalt  }
0x75: {  	_ =	shalt  }
0x76: {  	_ =	shalt  }
0x77: {  	_ =	shalt  }
0x78: {  	_ =	shalt  }
0x79: {  	_ =	shalt  }
0x7a: {  	_ =	shalt  }
0x7b: {  	_ =	shalt  }
0x7c: {  	_ =	shalt  }
0x7d: {  	_ =	shalt  }
0x7e: {  	_ =	shalt  }
0x7f: {  	_ =	shalt  }
0x80: {  	_ =	shalt  }
0x81: {  	_ =	shalt  }
0x82: {  	_ =	shalt  }
0x83: {  	_ =	shalt  }
0x84: {  	_ =	shalt  }
0x85: {  	_ =	shalt  }
0x86: {  	_ =	shalt  }
0x87: {  	_ =	shalt  }
.Lfunc_end0:
.L_simem_size_0:
called_computation_lowered:
.L_overlay_start_0:
0x88: {  	s0 =	sld [smem:$0x3FD9]  }
0x89: {  	s1 =	sld [smem:$0x3FFE];
	_ =	sdelay $0x3  }
0x8a: {  	s0 =	sadd.s32 s1, s0  }
0x8b: {  	[smem:$0x3FC6] =	sst s0  }
0x8c: {  	_ = 	snop  }
0x8d: {  	s0 =	sld [smem:$0x3FC9]  }
0x8e: {  	s16 =	sld [smem:$0x3FD0];
	(tm) =	ssettm $0x1  }
0x8f: {  	s2 =	sld [smem:$0x3FFB];
	_ =	sdelay $0x3  }
0x90: {  	_ =	strace s2  }
0x91: {  	s2 =	sld [smem:$0x3FFC];
	_ =	sdelay $0x3  }
0x92: {  	_ =	strace s2  }
0x93: {  	s2 =	sld [smem:$0x3FFD];
	_ =	sdelay $0x3  }
0x94: {  	_ =	strace s2  }
0x95: {  	_ =	strace $0x8FFFFFFF  }
0x96: {  	s17 =	sld [smem:$0x3FDB];
	_ =	sdelay $0x1  }
0x97: {  	s3 =	simm.s32 $_scs_section_size  }
0x98: {  	s4 =	simm.s32 $_size__tile_overlayer_lowered;
	s5 =	simm.s32 $_tile_overlayer_lowered  }
0x99: {  	s20 =	simm.s32 $0x1BFF;
	s19 =	sshll.u32 s5, $0x1;
	s2 =	sadd.s32 s3, s17  }
0x9a: {  	s6 =	simm.s32 $0x0;
	s18 =	sshll.u32 s4, $0x1;
	s4 =	sadd.s32 s19, s2  }
0x9b: {  	[timem:s6], [sflag:s20] =	dma.local [hbm:s4], s18  }
0x9c: {  	_ =	swait.ge [sflag:s20], s18  }
0x9d: {  	s3 =	ssub.s32 $0x0, s18;
	[sflag:s20] =	ssyncset.done $0x0  }
0x9e: {  	[sflag:s20] =	ssyncadd.s32 s3;
	_ =	sdelay $0x1  }
0x9f: {  	s21 =	simm.s32 $0x1B8B  }
0xa0: {  	_ =	swait.ge [sflag:s21], $0x1  }
0xa1: {  	[sflag:s21] =	ssyncset.done $0x0  }
0xa2: {  	s23 =	simm.s32 $0x1B8E;
	s22 =	sld [smem:$0x3FFE];
	[sflag:s21] =	ssyncadd.s32 $0xFFFFFFFF  }
0xa3: {  	s24 =	simm.s32 $execute0_lowered;
	[smem:$0x3FD2] =	sst s23  }
0xa4: {  	s4 =	sshll.u32 s24, $0x1;
	_ =	strace $0x80000046;
	[dreg:$0x1] =	wrdreg $0xFFFFFFFF  }
0xa5: {  	s25 =	simm.s32 $_size_execute0_lowered;
	s2 =	sadd.s32 s2, s4;
	[dreg:$0x0] =	wrdreg $0x0  }
0xa6: {  	s4 =	sshll.u32 s25, $0x1;
	[dreg:$0x2] =	wrdreg s2  }
0xa7: {  	[dreg:$0x3] =	wrdreg s4  }
0xa8: {  	[dreg:$0x4] =	wrdreg $0xC0  }
0xa9: {  	_ =	task [dreg:s6], $0x5FFFF  }
0xaa: {  	[dreg:$0x1] =	wrdreg $0xFFFFFFFF  }
0xab: {  	[dreg:$0x0] =	wrdreg $0x60  }
0xac: {  	[dreg:$0x2] =	wrdreg s0  }
0xad: {  	[dreg:$0x3] =	wrdreg s22  }
0xae: {  	[dreg:$0x4] =	wrdreg s16  }
0xaf: {  	[dreg:$0x5] =	wrdreg $0x9  }
0xb0: {  	_ =	task.clear_ibuf [dreg:s6], $0x6FFFF;
	_ =	strace $0x90000046  }
0xb1: {  	s26 =	simm.s32 $0x9;
	_ =	strace $0x80000048  }
0xb2: {  	_ =	swait.ge [sflag:s26], $0x1  }
0xb3: {  	[sflag:s26] =	ssyncadd.s32 $0xFFFFFFFF  }
0xb4: {  	_ =	strace $0x90000048  }
0xb5: {  	_ =	sfence  }
0xb6: {  	s28 =	sld [smem:$0x0];
	_ =	sdelay $0x1  }
0xb7: {  	s29 =	srdreg.scid  }
0xb8: {  	s30 =	sshll.u32 s29, $0xD;
	s31 =	sshrl.u32 s29, $0x2  }
0xb9: {  	s1 =	sand.u32 $0x1, s29;
	s2 =	sand.u32 $0x4000, s30;
	s0 =	sadd.s32 s31, s28  }
0xba: {  	s1 =	sor.u32 s2, s1;
	s0 =	sshll.u32 s0, $0x11  }
0xbb: {  	s0 =	sor.u32 s0, s1  }
0xbc: {  	s0 =	sadd.s32 $0x8F2B, s0  }
0xbd: {  	[sflag:s0] =	ssyncadd.remote.s32 $0x1  }
0xbe: {  	_ =	sfence.sel $0xFFFF  }
0xbf: {  	[dreg:$0x0] =	wrdreg $0xFFFFFFFF;
	(pc) =	sbr.abs _section_cstart, $3  }
0xc0: {  	[dreg:$0x1] =	wrdreg $0xFFFFFFFF  }
0xc1: {  	_ =	task.clear_ibuf [dreg:s6], $0x2FFFF;
	_ =	strace $0x9FFFFFFF  }
0xc2: {  	(tm) =	ssettm $0x7FFFFFFF  }
0xc3: {  	_ =	shalt  }
tec
execute0_lowered:
.L_overlay_start_1:
0x0: {  	(tag) =	ssettag $0x1  }
0x1: {  	s2 =	stileid.u32  }
0x2: {  	p0 =	sne.s32 s2, $0x0  }
.Ltmp0:
0x3: {  	_ = 	snop;
	(pc) =	sbr.rel @p0 .LBB2_2-.Ltmp0, $4  }
0x4: {  	s3 =	rddreg [dreg:$0x0]  }
0x5: {  	s4 =	rddreg [dreg:$0x1]  }
0x6: {  	s1 =	rddreg [dreg:$0x2]  }
0x7: {  	s0 =	rddreg [dreg:$0x3];
	_ =	strace $0x80000047  }
0x8: {  	v0 =	vimm.f32 $3.000000000e+00  }
0x9: {  	(erf) = vrcp.f32 v0;
	_ =	sdelay $0x7  }
0xa: {  	s2 =	simm.s32 $0x0;
	s29 =	simm.s32 $0x2  }
0xb: {  	[tilespmem:s2], [sflag:$0x2] =	stream.linear.gather [hbm4b:s3+s2], $0x3, $0x38;
	v0 =	vpop (erf);
	[tilespmem:$0x140] =	vst v63  }
0xc: {  	_ =	swait.ge [sflag:s29], $0x3  }
0xd: {  	[sflag:s29] =	ssyncset.done $0x0  }
0xe: {  	[sflag:s29] =	ssyncadd.s32 $0xFFFFFFFD  }
0xf: {  	v2 =	vimm.s32 $0x0;
	v1 =	vld [tilespmem:$0x0]  }
0x10: {  	v24 =	vimm.s32 $0x1;
	vm0 =	vcmask $0xF00;
	v5 =	vimm.f32 $-4.999999110e-01  }
0x11: {  	vm15 =	vcmask $0x2F20;
	vm4 =	vcmask $0x700;
	vm5 =	vcmask $0x1710  }
0x12: {  	v10 =	vimm.s32 $0x2;
	vm6 =	vcmask $0x2720;
	vm7 =	vcmask $0x3730  }
0x13: {  	vm8 =	vcmask $0x300;
	vm9 =	vcmask $0xB08;
	vm10 =	vcmask $0x1310  }
0x14: {  	vm11 =	vcmask $0x1B18;
	vm12 =	vcmask $0x2320;
	v3 =	vperm.xlane v1, v2  }
0x15: {  	vm13 =	vcmask $0x2B28;
	v6 =	vperm.xlane v1, v24;
	v1 =	vperm.xlane v1, v10  }
0x16: {  	vm14 =	vcmask $0x3330;
	v7 =	vsel vm0, $0x3EFFFFFD, v5;
	v4 =	vtrunc.f32 v3  }
0x17: {  	v9 =	vsel vm4, $0x3EFFFFFD, v5;
	v8 =	vtrunc.f32 v6;
	v11 =	vtrunc.f32 v1  }
0x18: {  	v5 =	vsel vm8, $0x3EFFFFFD, v5;
	v4 =	vcvt.f32.s32 v4;
	v8 =	vcvt.f32.s32 v8  }
0x19: {  	v7 =	vsel vm15, $0x3EFFFFFD, v7;
	v9 =	vsel vm5, $0x3EFFFFFD, v9;
	v11 =	vcvt.f32.s32 v11  }
0x1a: {  	v5 =	vsel vm9, $0x3EFFFFFD, v5;
	v4 =	vcvt.s32.f32 v4;
	v8 =	vcvt.s32.f32 v8  }
0x1b: {  	vm15 =	vcmask $0x3B38;
	v5 =	vsel vm10, $0x3EFFFFFD, v5;
	v25 =	vcvt.s32.f32 v11  }
0x1c: {  	v5 =	vsel vm11, $0x3EFFFFFD, v5;
	v3 =	vsub.f32 v3, v4;
	v6 =	vsub.f32 v6, v8  }
0x1d: {  	v9 =	vsel vm6, $0x3EFFFFFD, v9;
	v5 =	vsel vm12, $0x3EFFFFFD, v5;
	v1 =	vsub.f32 v1, v25  }
0x1e: {  	v5 =	vsel vm13, $0x3EFFFFFD, v5;
	v3 =	vmul.f32 $1.280000000e+02, v3;
	v6 =	vmul.f32 $1.280000000e+02, v6  }
0x1f: {  	v9 =	vsel vm7, $0x3EFFFFFD, v9;
	v5 =	vsel vm14, $0x3EFFFFFD, v5;
	v1 =	vmul.f32 $1.280000000e+02, v1  }
0x20: {  	v5 =	vsel vm15, $0x3EFFFFFD, v5;
	v7 =	vadd.f32 v7, v3;
	v26 =	vadd.f32 v9, v6  }
0x21: {  	v5 =	vadd.f32 v5, v1  }
0x22: {  	v7 =	vadd.f32 $1.258291200e+07, v7;
	v8 =	vadd.f32 $1.258291200e+07, v26  }
0x23: {  	v5 =	vadd.f32 $1.258291200e+07, v5  }
0x24: {  	v7 =	vadd.f32 $-1.258291200e+07, v7;
	v8 =	vadd.f32 $-1.258291200e+07, v8;
	_ =	sdelay $0x1  }
0x25: {  	v5 =	vadd.f32 $-1.258291200e+07, v5;
	v27 =	vtrunc.f32 v7;
	v28 =	vtrunc.f32 v8  }
0x26: {  	v9 =	vcvt.f32.s32 v27;
	v11 =	vcvt.f32.s32 v28  }
0x27: {  	v12 =	vtrunc.f32 v5  }
0x28: {  	v12 =	vcvt.f32.s32 v12;
	v9 =	vshll.u32 v9, $0xE;
	v11 =	vshll.u32 v11, $0x7  }
0x29: {  	v9 =	vadd.s32 v9, v11  }
0x2a: {  	v9 =	vadd.s32 v12, v9  }
0x2b: {  	v29 =	vshra.s32 v9, $0x1F  }
0x2c: {  	v11 =	vshrl.u32 v29, $0x19  }
0x2d: {  	v11 =	vadd.s32 v11, v9  }
0x2e: {  	v11 =	vand.u32 $0xFFFFFF80, v11  }
0x2f: {  	s4 =	sadd.s32 $0x400, s4;
	s5 =	simm.s32 $0x8;
	v3 =	vsub.f32 v7, v3;
	v6 =	vsub.f32 v8, v6;
	v9 =	vsub.s32 v9, v11  }
0x30: {  	s6 =	simm.s32 $0x10;
	s7 =	simm.s32 $0x20;
	s30 =	simm.s32 $0x1;
	[tilespmem:$0x10] =	vst v9  }
0x31: {  	v1 =	vsub.f32 v5, v1;
	v3 =	vand.u32 $0x7FFFFFFF, v3;
	v6 =	vand.u32 $0x7FFFFFFF, v6;
	[tilespmem:s7], [sflag:$0x1] =	stream.indirect.gather [hbm4b:s4+s5], $0x20, s6, s5, $0xb8;
	[tilespmem:$0x140] =	vst v63  }
0x32: {  	v3 =	vsub.f32 $1.000000000e+00, v3;
	v30 =	vsub.f32 $1.000000000e+00, v6;
	_ =	swait.ge [sflag:s30], $0x100  }
0x33: {  	v1 =	vand.u32 $0x7FFFFFFF, v1;
	[sflag:s30] =	ssyncset.done $0x0  }
0x34: {  	v1 =	vsub.f32 $1.000000000e+00, v1;
	v3 =	vadd.f32 v30, v3;
	[sflag:s30] =	ssyncadd.s32 $0xFFFFFF00  }
0x35: {  	v31 =	vld [tilespmem:$0x20]  }
0x36: {  	v1 =	vadd.f32 v1, v3;
	v32 =	vld [tilespmem:$0x30]  }
0x37: {  	v33 =	vld [tilespmem:$0x40]  }
0x38: {  	v2 =	vperm.xlane v1, v2;
	v34 =	vld [tilespmem:$0x50]  }
0x39: {  	v35 =	vld [tilespmem:$0x60]  }
0x3a: {  	v4 =	vperm.xlane v1, v24;
	v36 =	vld [tilespmem:$0x70];
	v5 =	vmul.f32 v31, v2  }
0x3b: {  	v37 =	vld [tilespmem:$0x80];
	v2 =	vmul.f32 v32, v2  }
0x3c: {  	v10 =	vperm.xlane v1, v10;
	v38 =	vld [tilespmem:$0x90];
	v6 =	vmul.f32 v33, v4;
	v5 =	vadd.f32 $0.0e+00, v5  }
0x3d: {  	v39 =	vimm.s32 $0x3;
	v40 =	vld [tilespmem:$0xA0];
	v4 =	vmul.f32 v34, v4;
	v2 =	vadd.f32 $0.0e+00, v2  }
0x3e: {  	v7 =	vperm.xlane v1, v39;
	v42 =	vld [tilespmem:$0xB0];
	v41 =	vmul.f32 v35, v10;
	v5 =	vadd.f32 v6, v5  }
0x3f: {  	v44 =	vimm.s32 $0x4;
	v45 =	vld [tilespmem:$0xC0];
	v43 =	vmul.f32 v36, v10;
	v2 =	vadd.f32 v4, v2  }
0x40: {  	v46 =	vperm.xlane v1, v44;
	v47 =	vld [tilespmem:$0xD0];
	v3 =	vmul.f32 v37, v7;
	v5 =	vadd.f32 v41, v5  }
0x41: {  	v49 =	vimm.s32 $0x5;
	v50 =	vld [tilespmem:$0xE0];
	v48 =	vmul.f32 v38, v7;
	v2 =	vadd.f32 v43, v2  }
0x42: {  	v52 =	vld [tilespmem:$0xF0];
	v51 =	vmul.f32 v40, v46;
	v7 =	vperm.xlane v1, v49;
	v3 =	vadd.f32 v3, v5  }
0x43: {  	v54 =	vimm.s32 $0x6;
	v55 =	vld [tilespmem:$0x100];
	v53 =	vmul.f32 v42, v46;
	v2 =	vadd.f32 v48, v2  }
0x44: {  	v57 =	vld [tilespmem:$0x110];
	v56 =	vmul.f32 v45, v7;
	v6 =	vperm.xlane v1, v54;
	v3 =	vadd.f32 v51, v3  }
0x45: {  	v59 =	vimm.s32 $0x7;
	v58 =	vmul.f32 v47, v7;
	v2 =	vadd.f32 v53, v2  }
0x46: {  	v1 =	vperm.xlane v1, v59;
	v60 =	vmul.f32 v50, v6;
	v3 =	vadd.f32 v56, v3  }
0x47: {  	v61 =	vmul.f32 v52, v6;
	v2 =	vadd.f32 v58, v2  }
0x48: {  	v62 =	vmul.f32 v55, v1;
	v3 =	vadd.f32 v60, v3  }
0x49: {  	v1 =	vmul.f32 v57, v1;
	v2 =	vadd.f32 v61, v2  }
0x4a: {  	v3 =	vadd.f32 v62, v3  }
0x4b: {  	v1 =	vadd.f32 v1, v2  }
0x4c: {  	v63 =	vmul.f32 v3, v0  }
0x4d: {  	v0 =	vmul.f32 v1, v0  }
0x4e: {  	[tilespmem:$0x120] =	vst v63  }
0x4f: {  	s31 =	simm.s32 $0x120;
	[tilespmem:$0x130] =	vst v0  }
0x50: {  	[hbm4b:s1+s2] =	stream.linear.scatter [tilespmem:s31], [sflag:$0x2], $0x20, $0x38;
	[tilespmem:$0x140] =	vst v63  }
0x51: {  	_ =	swait.ge [sflag:s29], $0x20  }
0x52: {  	[sflag:s29] =	ssyncset.done $0x0  }
0x53: {  	[sflag:s29] =	ssyncadd.s32 $0xFFFFFFE0  }
.LBB2_2:
0x54: {  	_ =	sfence.sel $0x180000  }
0x55: {  	[bflag:$0x0] =	sbarrier.arrive $0xFFFF  }
0x56: {  	_ =	strace $0x90000047  }
0x57: {  	s0 =	sadd.s32 @!p0 $0x100000, s0;
	[bflag:$0x2] =	sbarrier.arrive $0xFFFF  }
0x58: {  	[sflag:s0] =	ssyncadd.tile.s32 @!p0 $0x1;
	_ =	shalt  }
.Lfunc_end2:
_tile_overlayer_lowered:
.L_overlay_start_2:
0x59: {  	(tag) =	ssettag $0x2  }
0x5a: {  	s0 =	rddreg [dreg:$0x0];
	s2 =	stileid.u32  }
0x5b: {  	s1 =	rddreg [dreg:$0x1];
	p0 =	sne.s32 s2, $0x0  }
0x5c: {  	s3 =	rddreg [dreg:$0x2];
	[bflag:$0x3] =	sbarrier.arrive $0xFFFF;
	s2 =	simm.s32 @!p0 $0x1C02  }
0x5d: {  	[timem:s3], [sflag:s2] =	dma.local @!p0 [hbm:s0], s1  }
0x5e: {  	s0 =	simm.s32 @!p0 $0x2  }
0x5f: {  	_ =	swait.ge @!p0 [sflag:s0], s1  }
0x60: {  	s1 =	ssub.s32 @!p0 $0x0, s1;
	[sflag:s0] =	ssyncset.done @!p0 $0x0  }
0x61: {  	[sflag:s0] =	ssyncadd.s32 @!p0 s1  }
0x62: {  	[bflag:$0x3] =	sbarrier.arrive $0xFFFF  }
0x63: {  	_ =	shalt  }

</sc_bundles>
